<compile_context>
chip_gen: v7x
topology: tpu7x:2x2x1
jax: 0.10.2.dev20260603
libtpu: 0.0.44.dev20260713+nightly
codegen_flags: <defaults>
</compile_context>

<pallas_src>
import functools

import jax
import jax.numpy as jnp
from jax import lax
from jax.experimental import pallas as pl
from jax.experimental.pallas import tpu as pltpu
from jax.experimental.pallas import tpu_sc as plsc

B = 4
S = 4096
L = 16
NC = 1
NS = 16
NW = NC * NS
CPB = NW // B
CHUNK = S // CPB
VREGS = CHUNK // L
VOCAB_PAD = 1024


@functools.cache
def _build():
    mesh = plsc.VectorSubcoreMesh(
        core_axis_name="c", subcore_axis_name="s", num_cores=NC
    )

    @functools.partial(
        pl.kernel,
        mesh=mesh,
        out_type=jax.ShapeDtypeStruct((B, S), jnp.float32),
        scratch_types=[
            pltpu.VMEM((S,), jnp.int32),
            pltpu.VMEM((CHUNK,), jnp.float32),
            pltpu.VMEM((VOCAB_PAD,), jnp.int32),
        ],
        compiler_params=pltpu.CompilerParams(needs_layout_passes=False),
    )
    def counts_kernel(x_hbm, out_hbm, xv, outv, table):
        c = lax.axis_index("c")
        s = lax.axis_index("s")
        wid = s * NC + c
        b = wid // CPB
        ck = wid % CPB
        off = ck * CHUNK

        pltpu.sync_copy(x_hbm.at[b], xv)

        zeros = jnp.zeros((L,), jnp.int32)
        ones = jnp.ones((L,), jnp.int32)

        def zero_body(i, carry):
            table[pl.ds(i * L, L)] = zeros
            return carry

        lax.fori_loop(0, VOCAB_PAD // L, zero_body, 0)

        def hist_body(i, carry):
            for u in range(8):
                v = xv[pl.ds(i * (8 * L) + u * L, L)]
                plsc.addupdate_scatter(table, [v], ones)
            return carry

        lax.fori_loop(0, ck * (VREGS // 8), hist_body, 0)

        def main_body(i, carry):
            for u in range(4):
                v = xv[pl.ds(off + i * (4 * L) + u * L, L)]
                cnt, _ = plsc.scan_count(v)
                base = plsc.load_gather(table, [v])
                new = base + cnt
                outv[pl.ds(i * (4 * L) + u * L, L)] = new.astype(jnp.float32)
                plsc.addupdate_scatter(table, [v], ones)
            return carry

        lax.fori_loop(0, VREGS // 4, main_body, 0)

        pltpu.sync_copy(outv, out_hbm.at[b, pl.ds(off, CHUNK)])

    return counts_kernel


def kernel(x):
    counts = _build()(x)
    return counts[..., None]

# --- scband reference (transcript-rebuilt; emitter-appended) ---
"""Pipeline reference for scband-prefix-sum-counts-3393024164356 (READ-ONLY COPY).

The authoritative reference and input builder live on the scoring server;
editing this copy changes nothing except your own understanding.
"""

import jax, jax.numpy as jnp
import numpy as np

D_VOCAB = 1000

def setup_inputs(seed: int = 0) -> dict:
    key = jax.random.key(seed)
    x = jax.random.randint(key, (4, 4096), 0, D_VOCAB, dtype=jnp.int64 if jax.config.jax_enable_x64 else jnp.int32)
    x = x.astype(jnp.int32)
    return {"x": x}

def reference(x):
    # one_hot: [B, S, V]
    one_hot = jax.nn.one_hot(x, D_VOCAB, dtype=jnp.float32)
    # prefix sum over sequence dim
    cumsum = jnp.cumsum(one_hot, axis=1)
    # gather count of each position's own token id
    idx = x[..., None]
    counts = jnp.take_along_axis(cumsum, idx, axis=2).astype(jnp.float32)
    return counts

if __name__ == "__main__":
    import jax
    _d = setup_inputs()
    print(jax.jit(kernel)(*tuple(_d.values())))

</pallas_src>

<mosaic_0001>
#map = affine_map<(d0, d1) -> (0, 0)>
module attributes {stable_mosaic.version = 14 : i64} {
  func.func @counts_kernel(%arg0: i32, %arg1: i32, %arg2: memref<4x4096xi32, #tpu.memory_space<hbm>>, %arg3: memref<4x4096xf32, #tpu.memory_space<hbm>>, %arg4: memref<4096xi32, #tpu.memory_space<vmem>>, %arg5: memref<1024xf32, #tpu.memory_space<vmem>>, %arg6: memref<1024xi32, #tpu.memory_space<vmem>>) attributes {dimension_semantics = [#tpu.dimension_semantics<core_parallel>, #tpu.dimension_semantics<subcore_parallel>], iteration_bounds = array<i64: 1, 16>, scalar_prefetch = 0 : i64, scratch_operands = 3 : i64, tpu.core_type = #tpu.core_type<sc_vector_subcore>, window_params = [{transform_indices = #map}, {transform_indices = #map}]} {
    %mul3A = arith.constant 1 : i32
    %mul3A_0 = arith.muli %arg1, %mul3A : i32
    %add3A = arith.addi %mul3A_0, %arg0 : i32
    %jit3A = arith.constant 4 : i32
    %div3A = arith.divsi %add3A, %jit3A : i32
    %sign3A = arith.constant 0 : i32
    %sign3A_1 = arith.cmpi sgt, %add3A, %sign3A : i32
    %sign3A_2 = arith.extui %sign3A_1 : i1 to i32
    %sign3A_3 = arith.constant 0 : i32
    %sign3A_4 = arith.cmpi slt, %add3A, %sign3A_3 : i32
    %sign3A_5 = arith.extui %sign3A_4 : i1 to i32
    %sign3A_6 = arith.subi %sign3A_2, %sign3A_5 : i32
    %sign3A_7 = arith.constant 0 : i32
    %sign3A_8 = arith.cmpi sgt, %jit3A, %sign3A_7 : i32
    %sign3A_9 = arith.extui %sign3A_8 : i1 to i32
    %sign3A_10 = arith.constant 0 : i32
    %sign3A_11 = arith.cmpi slt, %jit3A, %sign3A_10 : i32
    %sign3A_12 = arith.extui %sign3A_11 : i1 to i32
    %sign3A_13 = arith.subi %sign3A_9, %sign3A_12 : i32
    %ne3A = arith.cmpi ne, %sign3A_6, %sign3A_13 : i32
    %rem3A = arith.remsi %add3A, %jit3A : i32
    %ne3A_14 = arith.constant 0 : i32
    %ne3A_15 = arith.cmpi ne, %rem3A, %ne3A_14 : i32
    %and3A = arith.andi %ne3A, %ne3A_15 : i1
    %sub3A = arith.constant 1 : i32
    %sub3A_16 = arith.subi %div3A, %sub3A : i32
    %select_n3A = arith.select %and3A, %sub3A_16, %div3A : i32
    %jit3A_17 = arith.constant 4 : i32
    %eq3A = arith.constant 0 : i32
    %eq3A_18 = arith.cmpi eq, %jit3A_17, %eq3A : i32
    %jit3A_19 = arith.constant 1 : i32
    %select_n3A_20 = arith.select %eq3A_18, %jit3A_19, %jit3A_17 : i32
    %rem3A_21 = arith.remsi %add3A, %select_n3A_20 : i32
    %ne3A_22 = arith.constant 0 : i32
    %ne3A_23 = arith.cmpi ne, %rem3A_21, %ne3A_22 : i32
    %lt3A = arith.constant 0 : i32
    %lt3A_24 = arith.cmpi slt, %rem3A_21, %lt3A : i32
    %lt3A_25 = arith.constant 0 : i32
    %lt3A_26 = arith.cmpi slt, %select_n3A_20, %lt3A_25 : i32
    %ne3A_27 = arith.xori %lt3A_24, %lt3A_26 : i1
    %and3A_28 = arith.andi %ne3A_27, %ne3A_23 : i1
    %add3A_29 = arith.addi %rem3A_21, %select_n3A_20 : i32
    %select_n3A_30 = arith.select %and3A_28, %add3A_29, %rem3A_21 : i32
    %mul3A_31 = arith.constant 1024 : i32
    %mul3A_32 = arith.muli %select_n3A_30, %mul3A_31 : i32
    "tpu.region"() ({
      %run_scoped3A = tpu.sem_alloc : memref<!tpu.dma_semaphore, #tpu.memory_space<semaphore_mem>>
      %dma_start3A = arith.constant 0 : i32
      %dma_start3A_58 = tpu.memref_slice %arg2[%select_n3A, %dma_start3A] : memref<4x4096xi32, #tpu.memory_space<hbm>> -> memref<1x4096xi32, #tpu.memory_space<hbm>>
      %dma_start3A_59 = tpu.memref_squeeze %dma_start3A_58 : memref<1x4096xi32, #tpu.memory_space<hbm>> -> memref<4096xi32, #tpu.memory_space<hbm>>
      %dma_start3A_60 = arith.constant 0 : i32
      %dma_start3A_61 = tpu.memref_slice %arg2[%select_n3A, %dma_start3A_60] : memref<4x4096xi32, #tpu.memory_space<hbm>> -> memref<1x4096xi32, #tpu.memory_space<hbm>>
      %dma_start3A_62 = tpu.memref_squeeze %dma_start3A_61 : memref<1x4096xi32, #tpu.memory_space<hbm>> -> memref<4096xi32, #tpu.memory_space<hbm>>
      tpu.enqueue_dma source(%dma_start3A_62 : memref<4096xi32, #tpu.memory_space<hbm>>) target(%arg4 : memref<4096xi32, #tpu.memory_space<vmem>>) target_semaphore(%run_scoped3A : memref<!tpu.dma_semaphore, #tpu.memory_space<semaphore_mem>>)
      %dma_wait3A = arith.constant 0 : i32
      %dma_wait3A_63 = tpu.memref_slice %arg2[%select_n3A, %dma_wait3A] : memref<4x4096xi32, #tpu.memory_space<hbm>> -> memref<1x4096xi32, #tpu.memory_space<hbm>>
      %dma_wait3A_64 = tpu.memref_squeeze %dma_wait3A_63 : memref<1x4096xi32, #tpu.memory_space<hbm>> -> memref<4096xi32, #tpu.memory_space<hbm>>
      %dma_wait3A_65 = arith.constant 0 : i32
      %dma_wait3A_66 = tpu.memref_slice %arg2[%select_n3A, %dma_wait3A_65] : memref<4x4096xi32, #tpu.memory_space<hbm>> -> memref<1x4096xi32, #tpu.memory_space<hbm>>
      %dma_wait3A_67 = tpu.memref_squeeze %dma_wait3A_66 : memref<1x4096xi32, #tpu.memory_space<hbm>> -> memref<4096xi32, #tpu.memory_space<hbm>>
      tpu.wait_dma2 semaphore(%run_scoped3A : memref<!tpu.dma_semaphore, #tpu.memory_space<semaphore_mem>>) src(%dma_wait3A_67 : memref<4096xi32, #tpu.memory_space<hbm>>) dst(%arg4 : memref<4096xi32, #tpu.memory_space<vmem>>)
      tpu.yield
    }) : () -> ()
    %broadcast_in_dim3A = arith.constant 0 : i32
    %broadcast_in_dim3A_33 = vector.broadcast %broadcast_in_dim3A : i32 to vector<16xi32>
    %broadcast_in_dim3A_34 = arith.constant 1 : i32
    %broadcast_in_dim3A_35 = vector.broadcast %broadcast_in_dim3A_34 : i32 to vector<16xi32>
    %scan3A = arith.constant 0 : i32
    %scan3A_36 = arith.constant 0 : i32
    %scan3A_37 = arith.constant 64 : i32
    %scan3A_38 = arith.addi %scan3A_36, %scan3A_37 : i32
    %scan3A_39 = arith.constant 1 : i32
    scf.for %scan3A_58 = %scan3A_36 to %scan3A_38 step %scan3A_39  : i32 {
      %mul3A_59 = arith.constant 16 : i32
      %mul3A_60 = arith.muli %scan3A_58, %mul3A_59 : i32
      %swap3A = arith.index_cast %mul3A_60 : i32 to index
      %swap3A_61 = tpu.vector_load %arg6[%swap3A] {strides = array<i32>} : memref<1024xi32, #tpu.memory_space<vmem>>, vector<16xi32>,
      tpu.vector_store %arg6[%swap3A], %broadcast_in_dim3A_33 {strides = array<i32>} : memref<1024xi32, #tpu.memory_space<vmem>>, vector<16xi32>,
    }
    %scan3A_40 = arith.constant 64 : i32
    %mul3A_41 = arith.constant 8 : i32
    %mul3A_42 = arith.muli %select_n3A_30, %mul3A_41 : i32
    %while3A = arith.constant 0 : i32
    %while3A_43 = arith.constant 0 : i32
    %while3A_44 = arith.subi %mul3A_42, %while3A_43 : i32
    %while3A_45 = arith.addi %while3A_43, %while3A_44 : i32
    %while3A_46 = arith.constant 1 : i32
    %while3A_47 = arith.divsi %while3A_44, %while3A_46 : i32
    %while3A_48 = arith.muli %while3A_47, %while3A_46 : i32
    %while3A_49 = arith.addi %while3A_43, %while3A_48 : i32
    %while3A_50 = arith.constant 1 : i32
    scf.for %while3A_58 = %while3A_43 to %while3A_49 step %while3A_50  : i32 {
      %mul3A_59 = arith.constant 128 : i32
      %mul3A_60 = arith.muli %while3A_58, %mul3A_59 : i32
      %add3A_61 = arith.constant 0 : i32
      %add3A_62 = arith.addi %mul3A_60, %add3A_61 : i32
      %get3A = arith.index_cast %add3A_62 : i32 to index
      %get3A_63 = tpu.vector_load %arg4[%get3A] {strides = array<i32>} : memref<4096xi32, #tpu.memory_space<vmem>>, vector<16xi32>,
      tpu.vector_store_idx %arg6[%get3A_63], %broadcast_in_dim3A_35 {add = true} : memref<1024xi32, #tpu.memory_space<vmem>>[vector<16xi32>], vector<16xi32>,
      %mul3A_64 = arith.constant 128 : i32
      %mul3A_65 = arith.muli %while3A_58, %mul3A_64 : i32
      %add3A_66 = arith.constant 16 : i32
      %add3A_67 = arith.addi %mul3A_65, %add3A_66 : i32
      %get3A_68 = arith.index_cast %add3A_67 : i32 to index
      %get3A_69 = tpu.vector_load %arg4[%get3A_68] {strides = array<i32>} : memref<4096xi32, #tpu.memory_space<vmem>>, vector<16xi32>,
      tpu.vector_store_idx %arg6[%get3A_69], %broadcast_in_dim3A_35 {add = true} : memref<1024xi32, #tpu.memory_space<vmem>>[vector<16xi32>], vector<16xi32>,
      %mul3A_70 = arith.constant 128 : i32
      %mul3A_71 = arith.muli %while3A_58, %mul3A_70 : i32
      %add3A_72 = arith.constant 32 : i32
      %add3A_73 = arith.addi %mul3A_71, %add3A_72 : i32
      %get3A_74 = arith.index_cast %add3A_73 : i32 to index
      %get3A_75 = tpu.vector_load %arg4[%get3A_74] {strides = array<i32>} : memref<4096xi32, #tpu.memory_space<vmem>>, vector<16xi32>,
      tpu.vector_store_idx %arg6[%get3A_75], %broadcast_in_dim3A_35 {add = true} : memref<1024xi32, #tpu.memory_space<vmem>>[vector<16xi32>], vector<16xi32>,
      %mul3A_76 = arith.constant 128 : i32
      %mul3A_77 = arith.muli %while3A_58, %mul3A_76 : i32
      %add3A_78 = arith.constant 48 : i32
      %add3A_79 = arith.addi %mul3A_77, %add3A_78 : i32
      %get3A_80 = arith.index_cast %add3A_79 : i32 to index
      %get3A_81 = tpu.vector_load %arg4[%get3A_80] {strides = array<i32>} : memref<4096xi32, #tpu.memory_space<vmem>>, vector<16xi32>,
      tpu.vector_store_idx %arg6[%get3A_81], %broadcast_in_dim3A_35 {add = true} : memref<1024xi32, #tpu.memory_space<vmem>>[vector<16xi32>], vector<16xi32>,
      %mul3A_82 = arith.constant 128 : i32
      %mul3A_83 = arith.muli %while3A_58, %mul3A_82 : i32
      %add3A_84 = arith.constant 64 : i32
      %add3A_85 = arith.addi %mul3A_83, %add3A_84 : i32
      %get3A_86 = arith.index_cast %add3A_85 : i32 to index
      %get3A_87 = tpu.vector_load %arg4[%get3A_86] {strides = array<i32>} : memref<4096xi32, #tpu.memory_space<vmem>>, vector<16xi32>,
      tpu.vector_store_idx %arg6[%get3A_87], %broadcast_in_dim3A_35 {add = true} : memref<1024xi32, #tpu.memory_space<vmem>>[vector<16xi32>], vector<16xi32>,
      %mul3A_88 = arith.constant 128 : i32
      %mul3A_89 = arith.muli %while3A_58, %mul3A_88 : i32
      %add3A_90 = arith.constant 80 : i32
      %add3A_91 = arith.addi %mul3A_89, %add3A_90 : i32
      %get3A_92 = arith.index_cast %add3A_91 : i32 to index
      %get3A_93 = tpu.vector_load %arg4[%get3A_92] {strides = array<i32>} : memref<4096xi32, #tpu.memory_space<vmem>>, vector<16xi32>,
      tpu.vector_store_idx %arg6[%get3A_93], %broadcast_in_dim3A_35 {add = true} : memref<1024xi32, #tpu.memory_space<vmem>>[vector<16xi32>], vector<16xi32>,
      %mul3A_94 = arith.constant 128 : i32
      %mul3A_95 = arith.muli %while3A_58, %mul3A_94 : i32
      %add3A_96 = arith.constant 96 : i32
      %add3A_97 = arith.addi %mul3A_95, %add3A_96 : i32
      %get3A_98 = arith.index_cast %add3A_97 : i32 to index
      %get3A_99 = tpu.vector_load %arg4[%get3A_98] {strides = array<i32>} : memref<4096xi32, #tpu.memory_space<vmem>>, vector<16xi32>,
      tpu.vector_store_idx %arg6[%get3A_99], %broadcast_in_dim3A_35 {add = true} : memref<1024xi32, #tpu.memory_space<vmem>>[vector<16xi32>], vector<16xi32>,
      %mul3A_100 = arith.constant 128 : i32
      %mul3A_101 = arith.muli %while3A_58, %mul3A_100 : i32
      %add3A_102 = arith.constant 112 : i32
      %add3A_103 = arith.addi %mul3A_101, %add3A_102 : i32
      %get3A_104 = arith.index_cast %add3A_103 : i32 to index
      %get3A_105 = tpu.vector_load %arg4[%get3A_104] {strides = array<i32>} : memref<4096xi32, #tpu.memory_space<vmem>>, vector<16xi32>,
      tpu.vector_store_idx %arg6[%get3A_105], %broadcast_in_dim3A_35 {add = true} : memref<1024xi32, #tpu.memory_space<vmem>>[vector<16xi32>], vector<16xi32>,
    }
    %while3A_51 = arith.constant 1 : i32
    scf.for %while3A_58 = %while3A_49 to %while3A_45 step %while3A_51  : i32 {
      %mul3A_59 = arith.constant 128 : i32
      %mul3A_60 = arith.muli %while3A_58, %mul3A_59 : i32
      %add3A_61 = arith.constant 0 : i32
      %add3A_62 = arith.addi %mul3A_60, %add3A_61 : i32
      %get3A = arith.index_cast %add3A_62 : i32 to index
      %get3A_63 = tpu.vector_load %arg4[%get3A] {strides = array<i32>} : memref<4096xi32, #tpu.memory_space<vmem>>, vector<16xi32>,
      tpu.vector_store_idx %arg6[%get3A_63], %broadcast_in_dim3A_35 {add = true} : memref<1024xi32, #tpu.memory_space<vmem>>[vector<16xi32>], vector<16xi32>,
      %mul3A_64 = arith.constant 128 : i32
      %mul3A_65 = arith.muli %while3A_58, %mul3A_64 : i32
      %add3A_66 = arith.constant 16 : i32
      %add3A_67 = arith.addi %mul3A_65, %add3A_66 : i32
      %get3A_68 = arith.index_cast %add3A_67 : i32 to index
      %get3A_69 = tpu.vector_load %arg4[%get3A_68] {strides = array<i32>} : memref<4096xi32, #tpu.memory_space<vmem>>, vector<16xi32>,
      tpu.vector_store_idx %arg6[%get3A_69], %broadcast_in_dim3A_35 {add = true} : memref<1024xi32, #tpu.memory_space<vmem>>[vector<16xi32>], vector<16xi32>,
      %mul3A_70 = arith.constant 128 : i32
      %mul3A_71 = arith.muli %while3A_58, %mul3A_70 : i32
      %add3A_72 = arith.constant 32 : i32
      %add3A_73 = arith.addi %mul3A_71, %add3A_72 : i32
      %get3A_74 = arith.index_cast %add3A_73 : i32 to index
      %get3A_75 = tpu.vector_load %arg4[%get3A_74] {strides = array<i32>} : memref<4096xi32, #tpu.memory_space<vmem>>, vector<16xi32>,
      tpu.vector_store_idx %arg6[%get3A_75], %broadcast_in_dim3A_35 {add = true} : memref<1024xi32, #tpu.memory_space<vmem>>[vector<16xi32>], vector<16xi32>,
      %mul3A_76 = arith.constant 128 : i32
      %mul3A_77 = arith.muli %while3A_58, %mul3A_76 : i32
      %add3A_78 = arith.constant 48 : i32
      %add3A_79 = arith.addi %mul3A_77, %add3A_78 : i32
      %get3A_80 = arith.index_cast %add3A_79 : i32 to index
      %get3A_81 = tpu.vector_load %arg4[%get3A_80] {strides = array<i32>} : memref<4096xi32, #tpu.memory_space<vmem>>, vector<16xi32>,
      tpu.vector_store_idx %arg6[%get3A_81], %broadcast_in_dim3A_35 {add = true} : memref<1024xi32, #tpu.memory_space<vmem>>[vector<16xi32>], vector<16xi32>,
      %mul3A_82 = arith.constant 128 : i32
      %mul3A_83 = arith.muli %while3A_58, %mul3A_82 : i32
      %add3A_84 = arith.constant 64 : i32
      %add3A_85 = arith.addi %mul3A_83, %add3A_84 : i32
      %get3A_86 = arith.index_cast %add3A_85 : i32 to index
      %get3A_87 = tpu.vector_load %arg4[%get3A_86] {strides = array<i32>} : memref<4096xi32, #tpu.memory_space<vmem>>, vector<16xi32>,
      tpu.vector_store_idx %arg6[%get3A_87], %broadcast_in_dim3A_35 {add = true} : memref<1024xi32, #tpu.memory_space<vmem>>[vector<16xi32>], vector<16xi32>,
      %mul3A_88 = arith.constant 128 : i32
      %mul3A_89 = arith.muli %while3A_58, %mul3A_88 : i32
      %add3A_90 = arith.constant 80 : i32
      %add3A_91 = arith.addi %mul3A_89, %add3A_90 : i32
      %get3A_92 = arith.index_cast %add3A_91 : i32 to index
      %get3A_93 = tpu.vector_load %arg4[%get3A_92] {strides = array<i32>} : memref<4096xi32, #tpu.memory_space<vmem>>, vector<16xi32>,
      tpu.vector_store_idx %arg6[%get3A_93], %broadcast_in_dim3A_35 {add = true} : memref<1024xi32, #tpu.memory_space<vmem>>[vector<16xi32>], vector<16xi32>,
      %mul3A_94 = arith.constant 128 : i32
      %mul3A_95 = arith.muli %while3A_58, %mul3A_94 : i32
      %add3A_96 = arith.constant 96 : i32
      %add3A_97 = arith.addi %mul3A_95, %add3A_96 : i32
      %get3A_98 = arith.index_cast %add3A_97 : i32 to index
      %get3A_99 = tpu.vector_load %arg4[%get3A_98] {strides = array<i32>} : memref<4096xi32, #tpu.memory_space<vmem>>, vector<16xi32>,
      tpu.vector_store_idx %arg6[%get3A_99], %broadcast_in_dim3A_35 {add = true} : memref<1024xi32, #tpu.memory_space<vmem>>[vector<16xi32>], vector<16xi32>,
      %mul3A_100 = arith.constant 128 : i32
      %mul3A_101 = arith.muli %while3A_58, %mul3A_100 : i32
      %add3A_102 = arith.constant 112 : i32
      %add3A_103 = arith.addi %mul3A_101, %add3A_102 : i32
      %get3A_104 = arith.index_cast %add3A_103 : i32 to index
      %get3A_105 = tpu.vector_load %arg4[%get3A_104] {strides = array<i32>} : memref<4096xi32, #tpu.memory_space<vmem>>, vector<16xi32>,
      tpu.vector_store_idx %arg6[%get3A_105], %broadcast_in_dim3A_35 {add = true} : memref<1024xi32, #tpu.memory_space<vmem>>[vector<16xi32>], vector<16xi32>,
    }
    %scan3A_52 = arith.constant 0 : i32
    %scan3A_53 = arith.constant 0 : i32
    %scan3A_54 = arith.constant 16 : i32
    %scan3A_55 = arith.addi %scan3A_53, %scan3A_54 : i32
    %scan3A_56 = arith.constant 1 : i32
    scf.for %scan3A_58 = %scan3A_53 to %scan3A_55 step %scan3A_56  : i32 {
      %mul3A_59 = arith.constant 64 : i32
      %mul3A_60 = arith.muli %scan3A_58, %mul3A_59 : i32
      %add3A_61 = arith.addi %mul3A_32, %mul3A_60 : i32
      %add3A_62 = arith.constant 0 : i32
      %add3A_63 = arith.addi %add3A_61, %add3A_62 : i32
      %get3A = arith.index_cast %add3A_63 : i32 to index
      %get3A_64 = tpu.vector_load %arg4[%get3A] {strides = array<i32>} : memref<4096xi32, #tpu.memory_space<vmem>>, vector<16xi32>,
      %broadcast_in_dim3A_65 = arith.constant true
      %broadcast_in_dim3A_66 = vector.broadcast %broadcast_in_dim3A_65 : i1 to vector<16xi1>
      %unique3A, %unique3A_67 = tpu.scan_count mask(%broadcast_in_dim3A_66 : vector<16xi1>) value(%get3A_64 : vector<16xi32>) : vector<16xi1>, vector<16xi32>
      %gather3A = tpu.vector_load_idx %arg6[%get3A_64] : memref<1024xi32, #tpu.memory_space<vmem>>[vector<16xi32>], vector<16xi32>,
      %add3A_68 = arith.addi %gather3A, %unique3A_67 : vector<16xi32>
      %convert_element_type3A = arith.sitofp %add3A_68 : vector<16xi32> to vector<16xf32>
      %mul3A_69 = arith.constant 64 : i32
      %mul3A_70 = arith.muli %scan3A_58, %mul3A_69 : i32
      %add3A_71 = arith.constant 0 : i32
      %add3A_72 = arith.addi %mul3A_70, %add3A_71 : i32
      %swap3A = arith.index_cast %add3A_72 : i32 to index
      %swap3A_73 = tpu.vector_load %arg5[%swap3A] {strides = array<i32>} : memref<1024xf32, #tpu.memory_space<vmem>>, vector<16xf32>,
      tpu.vector_store %arg5[%swap3A], %convert_element_type3A {strides = array<i32>} : memref<1024xf32, #tpu.memory_space<vmem>>, vector<16xf32>,
      tpu.vector_store_idx %arg6[%get3A_64], %broadcast_in_dim3A_35 {add = true} : memref<1024xi32, #tpu.memory_space<vmem>>[vector<16xi32>], vector<16xi32>,
      %mul3A_74 = arith.constant 64 : i32
      %mul3A_75 = arith.muli %scan3A_58, %mul3A_74 : i32
      %add3A_76 = arith.addi %mul3A_32, %mul3A_75 : i32
      %add3A_77 = arith.constant 16 : i32
      %add3A_78 = arith.addi %add3A_76, %add3A_77 : i32
      %get3A_79 = arith.index_cast %add3A_78 : i32 to index
      %get3A_80 = tpu.vector_load %arg4[%get3A_79] {strides = array<i32>} : memref<4096xi32, #tpu.memory_space<vmem>>, vector<16xi32>,
      %broadcast_in_dim3A_81 = arith.constant true
      %broadcast_in_dim3A_82 = vector.broadcast %broadcast_in_dim3A_81 : i1 to vector<16xi1>
      %unique3A_83, %unique3A_84 = tpu.scan_count mask(%broadcast_in_dim3A_82 : vector<16xi1>) value(%get3A_80 : vector<16xi32>) : vector<16xi1>, vector<16xi32>
      %gather3A_85 = tpu.vector_load_idx %arg6[%get3A_80] : memref<1024xi32, #tpu.memory_space<vmem>>[vector<16xi32>], vector<16xi32>,
      %add3A_86 = arith.addi %gather3A_85, %unique3A_84 : vector<16xi32>
      %convert_element_type3A_87 = arith.sitofp %add3A_86 : vector<16xi32> to vector<16xf32>
      %mul3A_88 = arith.constant 64 : i32
      %mul3A_89 = arith.muli %scan3A_58, %mul3A_88 : i32
      %add3A_90 = arith.constant 16 : i32
      %add3A_91 = arith.addi %mul3A_89, %add3A_90 : i32
      %swap3A_92 = arith.index_cast %add3A_91 : i32 to index
      %swap3A_93 = tpu.vector_load %arg5[%swap3A_92] {strides = array<i32>} : memref<1024xf32, #tpu.memory_space<vmem>>, vector<16xf32>,
      tpu.vector_store %arg5[%swap3A_92], %convert_element_type3A_87 {strides = array<i32>} : memref<1024xf32, #tpu.memory_space<vmem>>, vector<16xf32>,
      tpu.vector_store_idx %arg6[%get3A_80], %broadcast_in_dim3A_35 {add = true} : memref<1024xi32, #tpu.memory_space<vmem>>[vector<16xi32>], vector<16xi32>,
      %mul3A_94 = arith.constant 64 : i32
      %mul3A_95 = arith.muli %scan3A_58, %mul3A_94 : i32
      %add3A_96 = arith.addi %mul3A_32, %mul3A_95 : i32
      %add3A_97 = arith.constant 32 : i32
      %add3A_98 = arith.addi %add3A_96, %add3A_97 : i32
      %get3A_99 = arith.index_cast %add3A_98 : i32 to index
      %get3A_100 = tpu.vector_load %arg4[%get3A_99] {strides = array<i32>} : memref<4096xi32, #tpu.memory_space<vmem>>, vector<16xi32>,
      %broadcast_in_dim3A_101 = arith.constant true
      %broadcast_in_dim3A_102 = vector.broadcast %broadcast_in_dim3A_101 : i1 to vector<16xi1>
      %unique3A_103, %unique3A_104 = tpu.scan_count mask(%broadcast_in_dim3A_102 : vector<16xi1>) value(%get3A_100 : vector<16xi32>) : vector<16xi1>, vector<16xi32>
      %gather3A_105 = tpu.vector_load_idx %arg6[%get3A_100] : memref<1024xi32, #tpu.memory_space<vmem>>[vector<16xi32>], vector<16xi32>,
      %add3A_106 = arith.addi %gather3A_105, %unique3A_104 : vector<16xi32>
      %convert_element_type3A_107 = arith.sitofp %add3A_106 : vector<16xi32> to vector<16xf32>
      %mul3A_108 = arith.constant 64 : i32
      %mul3A_109 = arith.muli %scan3A_58, %mul3A_108 : i32
      %add3A_110 = arith.constant 32 : i32
      %add3A_111 = arith.addi %mul3A_109, %add3A_110 : i32
      %swap3A_112 = arith.index_cast %add3A_111 : i32 to index
      %swap3A_113 = tpu.vector_load %arg5[%swap3A_112] {strides = array<i32>} : memref<1024xf32, #tpu.memory_space<vmem>>, vector<16xf32>,
      tpu.vector_store %arg5[%swap3A_112], %convert_element_type3A_107 {strides = array<i32>} : memref<1024xf32, #tpu.memory_space<vmem>>, vector<16xf32>,
      tpu.vector_store_idx %arg6[%get3A_100], %broadcast_in_dim3A_35 {add = true} : memref<1024xi32, #tpu.memory_space<vmem>>[vector<16xi32>], vector<16xi32>,
      %mul3A_114 = arith.constant 64 : i32
      %mul3A_115 = arith.muli %scan3A_58, %mul3A_114 : i32
      %add3A_116 = arith.addi %mul3A_32, %mul3A_115 : i32
      %add3A_117 = arith.constant 48 : i32
      %add3A_118 = arith.addi %add3A_116, %add3A_117 : i32
      %get3A_119 = arith.index_cast %add3A_118 : i32 to index
      %get3A_120 = tpu.vector_load %arg4[%get3A_119] {strides = array<i32>} : memref<4096xi32, #tpu.memory_space<vmem>>, vector<16xi32>,
      %broadcast_in_dim3A_121 = arith.constant true
      %broadcast_in_dim3A_122 = vector.broadcast %broadcast_in_dim3A_121 : i1 to vector<16xi1>
      %unique3A_123, %unique3A_124 = tpu.scan_count mask(%broadcast_in_dim3A_122 : vector<16xi1>) value(%get3A_120 : vector<16xi32>) : vector<16xi1>, vector<16xi32>
      %gather3A_125 = tpu.vector_load_idx %arg6[%get3A_120] : memref<1024xi32, #tpu.memory_space<vmem>>[vector<16xi32>], vector<16xi32>,
      %add3A_126 = arith.addi %gather3A_125, %unique3A_124 : vector<16xi32>
      %convert_element_type3A_127 = arith.sitofp %add3A_126 : vector<16xi32> to vector<16xf32>
      %mul3A_128 = arith.constant 64 : i32
      %mul3A_129 = arith.muli %scan3A_58, %mul3A_128 : i32
      %add3A_130 = arith.constant 48 : i32
      %add3A_131 = arith.addi %mul3A_129, %add3A_130 : i32
      %swap3A_132 = arith.index_cast %add3A_131 : i32 to index
      %swap3A_133 = tpu.vector_load %arg5[%swap3A_132] {strides = array<i32>} : memref<1024xf32, #tpu.memory_space<vmem>>, vector<16xf32>,
      tpu.vector_store %arg5[%swap3A_132], %convert_element_type3A_127 {strides = array<i32>} : memref<1024xf32, #tpu.memory_space<vmem>>, vector<16xf32>,
      tpu.vector_store_idx %arg6[%get3A_120], %broadcast_in_dim3A_35 {add = true} : memref<1024xi32, #tpu.memory_space<vmem>>[vector<16xi32>], vector<16xi32>,
    }
    %scan3A_57 = arith.constant 16 : i32
    "tpu.region"() ({
      %run_scoped3A = tpu.sem_alloc : memref<!tpu.dma_semaphore, #tpu.memory_space<semaphore_mem>>
      %dma_start3A = tpu.memref_slice %arg3[%select_n3A, %mul3A_32] : memref<4x4096xf32, #tpu.memory_space<hbm>> -> memref<1x1024xf32, #tpu.memory_space<hbm>>
      %dma_start3A_58 = tpu.memref_squeeze %dma_start3A : memref<1x1024xf32, #tpu.memory_space<hbm>> -> memref<1024xf32, #tpu.memory_space<hbm>>
      %dma_start3A_59 = tpu.memref_slice %arg3[%select_n3A, %mul3A_32] : memref<4x4096xf32, #tpu.memory_space<hbm>> -> memref<1x1024xf32, #tpu.memory_space<hbm>>
      %dma_start3A_60 = tpu.memref_squeeze %dma_start3A_59 : memref<1x1024xf32, #tpu.memory_space<hbm>> -> memref<1024xf32, #tpu.memory_space<hbm>>
      tpu.enqueue_dma source(%arg5 : memref<1024xf32, #tpu.memory_space<vmem>>) target(%dma_start3A_60 : memref<1024xf32, #tpu.memory_space<hbm>>) target_semaphore(%run_scoped3A : memref<!tpu.dma_semaphore, #tpu.memory_space<semaphore_mem>>)
      %dma_wait3A = tpu.memref_slice %arg3[%select_n3A, %mul3A_32] : memref<4x4096xf32, #tpu.memory_space<hbm>> -> memref<1x1024xf32, #tpu.memory_space<hbm>>
      %dma_wait3A_61 = tpu.memref_squeeze %dma_wait3A : memref<1x1024xf32, #tpu.memory_space<hbm>> -> memref<1024xf32, #tpu.memory_space<hbm>>
      %dma_wait3A_62 = tpu.memref_slice %arg3[%select_n3A, %mul3A_32] : memref<4x4096xf32, #tpu.memory_space<hbm>> -> memref<1x1024xf32, #tpu.memory_space<hbm>>
      %dma_wait3A_63 = tpu.memref_squeeze %dma_wait3A_62 : memref<1x1024xf32, #tpu.memory_space<hbm>> -> memref<1024xf32, #tpu.memory_space<hbm>>
      tpu.wait_dma2 semaphore(%run_scoped3A : memref<!tpu.dma_semaphore, #tpu.memory_space<semaphore_mem>>) src(%arg5 : memref<1024xf32, #tpu.memory_space<vmem>>) dst(%dma_wait3A_63 : memref<1024xf32, #tpu.memory_space<hbm>>)
      tpu.yield
    }) : () -> ()
    return
  }
}

</mosaic_0001>

<sc_bundles>
// kernel: kernel.3.cloned.1.call-start
scs
__scs_entry_jumppad:
0x0: {  	(pc) =	sbr.rel $0x88, $3  }
0x1: {  	(tag) =	ssettag $0x0;
	lr =	simm.s32 $0x1  }
0x2: {  	[smem:$0x3FA0] =	sst lr;
	_ =	strace $0xD0000000  }
0x3: {  	_ = 	snop  }
0x4: {  	_ = 	snop  }
0x5: {  	_ = 	snop  }
0x6: {  	_ = 	snop  }
0x7: {  	_ = 	snop  }
__scs_overlays_trampoline_lowered:
0x8: {  	[smem:$0x3FAF] =	sst s0  }
0x9: {  	[smem:$0x3FB0] =	sst s1  }
0xa: {  	[smem:$0x3FB1] =	sst s2  }
0xb: {  	[smem:$0x3FB2] =	sst s3  }
0xc: {  	[smem:$0x3FB3] =	sst s4  }
0xd: {  	[smem:$0x3FB4] =	sst s5  }
0xe: {  	[smem:$0x3FB5] =	sst s6  }
0xf: {  	[smem:$0x3FB6] =	sst s7  }
0x10: {  	[smem:$0x3FB7] =	sst s8  }
0x11: {  	[smem:$0x3FB8] =	sst s9;
	s0 =	simm.s32 @!p0 $0x0  }
0x12: {  	s1 =	sld [smem:$0x3F9E];
	s0 =	simm.s32 @p0 $0x1  }
0x13: {  	[smem:$0x3FB9] =	sst s0;
	s0 =	simm.s32 @!p1 $0x0  }
0x14: {  	s2 =	sld [smem:$0x3F9D];
	s0 =	simm.s32 @p1 $0x1  }
0x15: {  	[smem:$0x3FBA] =	sst s0;
	s0 =	simm.s32 @!p2 $0x0  }
0x16: {  	s3 =	sld [smem:$0x3FDB];
	s0 =	simm.s32 @p2 $0x1  }
0x17: {  	s4 =	simm.s32 $0x1BF5;
	[smem:$0x3FBC] =	sst s0  }
0x18: {  	s0 =	sld [smem:$0x3F9F];
	_ =	swait.ge [sflag:s4], $0x0  }
0x19: {  	s7 =	sld [smem:$0x3FA0]  }
0x1a: {  	s8 =	sadd.s32 $0xFFFFE003, lr  }
0x1b: {  	s9 =	sadd.s32 $0xFFFFFEF7, lr;
	s5 =	simm.s32 $0xFFFFFFFF;
	p2 =	slt.u32 s8, $0xFFFFF086  }
0x1c: {  	p1 =	slt.u32 s9, $0xF7A;
	s5 =	simm.s32 @!p2 $0x0  }
0x1d: {  	s5 =	simm.s32 @p1 $0x1;
	p0 =	seq.s32 s7, s2  }
0x1e: {  	s7 =	smul.u32 @!p0 $0xF7A, s2;
	p2 =	seq.s32 @!p0 s5, $0x0  }
0x1f: {  	s9 =	smul.u32 $0xF7A, s1;
	s8 =	simm.s32 @!p0 $0x1BF5;
	p2 =	por !p2, p0  }
0x20: {  	[sflag:s8] =	ssyncset.s32 @!p0 $0xFFFFF086;
	s6 =	sadd.s32 @!p0 s3, s7;
	s7 =	simm.s32 @!p0 $0x108  }
0x21: {  	s3 =	sadd.s32 s3, s9;
	s6 =	sadd.s32 @!p0 $0x88, s6;
	s7 =	simm.s32 @p2 $0x1082  }
0x22: {  	[simem:s7], [sflag:s8] =	dma.local @!p0 [hbm:s6], $0xF7A  }
0x23: {  	s9 =	sor.u32 $0xD0000000, s2;
	s6 =	simm.s32 $0x108;
	_ =	swait.ge @!p0 [sflag:s8], $0x0  }
0x24: {  	s3 =	sadd.s32 $0x88, s3;
	s6 =	simm.s32 @!p1 $0x1082;
	[sflag:s4] =	ssyncset.s32 $0xFFFFF086  }
0x25: {  	[simem:s6], [sflag:s4] =	dma.local [hbm:s3], $0xF7A  }
0x26: {  	[smem:$0x3FA0] =	sst s1;
	(tag) =	ssettag s2;
	_ =	strace s9  }
0x27: {  	s1 =	sld [smem:$0x3FB0]  }
0x28: {  	s2 =	sld [smem:$0x3FB1]  }
0x29: {  	s4 =	sld [smem:$0x3FB3]  }
0x2a: {  	p0 =	seq.s32 s5, $0x0;
	s5 =	sld [smem:$0x3FB4]  }
0x2b: {  	s6 =	sld [smem:$0x3FB5]  }
0x2c: {  	s7 =	sld [smem:$0x3FB6]  }
0x2d: {  	s3 =	simm.s32 $0x108;
	s8 =	sld [smem:$0x3FB7]  }
0x2e: {  	s3 =	simm.s32 @!p0 $0x1082;
	s9 =	sld [smem:$0x3FB8]  }
0x2f: {  	lr =	sadd.s32 s0, s3;
	s0 =	sld [smem:$0x3FAF]  }
0x30: {  	s3 =	sld [smem:$0x3FB2]  }
0x31: {  	[smem:$0x3FBB] =	sst s10  }
0x32: {  	s10 =	sld [smem:$0x3FB9];
	_ =	sdelay $0x3  }
0x33: {  	p0 =	seq.s32 s10, $0x1;
	s10 =	sld [smem:$0x3FBB];
	_ =	sdelay $0x3  }
0x34: {  	[smem:$0x3FBB] =	sst s10  }
0x35: {  	s10 =	sld [smem:$0x3FBA];
	_ =	sdelay $0x3  }
0x36: {  	p1 =	seq.s32 s10, $0x1;
	s10 =	sld [smem:$0x3FBB];
	_ =	sdelay $0x3  }
0x37: {  	[smem:$0x3FBB] =	sst s10  }
0x38: {  	s10 =	sld [smem:$0x3FBC]  }
0x39: {  	_ = 	snop;
	(pc) =	sbr.ind lr, $3  }
0x3a: {  	_ = 	snop  }
0x3b: {  	_ = 	snop  }
0x3c: {  	p2 =	seq.s32 s10, $0x1;
	s10 =	sld [smem:$0x3FBB]  }
0x3d: {  	_ =	shalt  }
0x3e: {  	_ =	shalt  }
0x3f: {  	_ =	shalt  }
0x40: {  	_ =	shalt  }
0x41: {  	_ =	shalt  }
0x42: {  	_ =	shalt  }
0x43: {  	_ =	shalt  }
0x44: {  	_ =	shalt  }
0x45: {  	_ =	shalt  }
0x46: {  	_ =	shalt  }
0x47: {  	_ =	shalt  }
0x48: {  	_ =	shalt  }
0x49: {  	_ =	shalt  }
0x4a: {  	_ =	shalt  }
0x4b: {  	_ =	shalt  }
0x4c: {  	_ =	shalt  }
0x4d: {  	_ =	shalt  }
0x4e: {  	_ =	shalt  }
0x4f: {  	_ =	shalt  }
0x50: {  	_ =	shalt  }
0x51: {  	_ =	shalt  }
0x52: {  	_ =	shalt  }
0x53: {  	_ =	shalt  }
0x54: {  	_ =	shalt  }
0x55: {  	_ =	shalt  }
0x56: {  	_ =	shalt  }
0x57: {  	_ =	shalt  }
0x58: {  	_ =	shalt  }
0x59: {  	_ =	shalt  }
0x5a: {  	_ =	shalt  }
0x5b: {  	_ =	shalt  }
0x5c: {  	_ =	shalt  }
0x5d: {  	_ =	shalt  }
0x5e: {  	_ =	shalt  }
0x5f: {  	_ =	shalt  }
0x60: {  	_ =	shalt  }
0x61: {  	_ =	shalt  }
0x62: {  	_ =	shalt  }
0x63: {  	_ =	shalt  }
0x64: {  	_ =	shalt  }
0x65: {  	_ =	shalt  }
0x66: {  	_ =	shalt  }
0x67: {  	_ =	shalt  }
0x68: {  	_ =	shalt  }
0x69: {  	_ =	shalt  }
0x6a: {  	_ =	shalt  }
0x6b: {  	_ =	shalt  }
0x6c: {  	_ =	shalt  }
0x6d: {  	_ =	shalt  }
0x6e: {  	_ =	shalt  }
0x6f: {  	_ =	shalt  }
0x70: {  	_ =	shalt  }
0x71: {  	_ =	shalt  }
0x72: {  	_ =	shalt  }
0x73: {  	_ =	shalt  }
0x74: {  	_ =	shalt  }
0x75: {  	_ =	shalt  }
0x76: {  	_ =	shalt  }
0x77: {  	_ =	shalt  }
0x78: {  	_ =	shalt  }
0x79: {  	_ =	shalt  }
0x7a: {  	_ =	shalt  }
0x7b: {  	_ =	shalt  }
0x7c: {  	_ =	shalt  }
0x7d: {  	_ =	shalt  }
0x7e: {  	_ =	shalt  }
0x7f: {  	_ =	shalt  }
0x80: {  	_ =	shalt  }
0x81: {  	_ =	shalt  }
0x82: {  	_ =	shalt  }
0x83: {  	_ =	shalt  }
0x84: {  	_ =	shalt  }
0x85: {  	_ =	shalt  }
0x86: {  	_ =	shalt  }
0x87: {  	_ =	shalt  }
.Lfunc_end0:
.L_simem_size_0:
called_computation_lowered:
.L_overlay_start_0:
0x88: {  	s0 =	sld [smem:$0x3FD9]  }
0x89: {  	s1 =	sld [smem:$0x3FFE];
	_ =	sdelay $0x3  }
0x8a: {  	s0 =	sadd.s32 s1, s0  }
0x8b: {  	[smem:$0x3FC7] =	sst s0  }
0x8c: {  	_ = 	snop  }
0x8d: {  	s0 =	sld [smem:$0x3FC9];
	(tm) =	ssettm $0x1  }
0x8e: {  	s16 =	sld [smem:$0x3FFB];
	_ =	sdelay $0x3  }
0x8f: {  	_ =	strace s16  }
0x90: {  	s1 =	sld [smem:$0x3FFC];
	_ =	sdelay $0x3  }
0x91: {  	_ =	strace s1  }
0x92: {  	s1 =	sld [smem:$0x3FFD];
	_ =	sdelay $0x3  }
0x93: {  	_ =	strace s1  }
0x94: {  	_ =	strace $0x8FFFFFFF  }
0x95: {  	s17 =	sld [smem:$0x3FDB];
	_ =	sdelay $0x1  }
0x96: {  	s2 =	simm.s32 $_scs_section_size  }
0x97: {  	s3 =	simm.s32 $_size__tile_overlayer_lowered;
	s4 =	simm.s32 $_tile_overlayer_lowered  }
0x98: {  	s20 =	simm.s32 $0x1BFF;
	s19 =	sshll.u32 s4, $0x1;
	s1 =	sadd.s32 s2, s17  }
0x99: {  	s5 =	simm.s32 $0x0;
	s18 =	sshll.u32 s3, $0x1;
	s3 =	sadd.s32 s19, s1  }
0x9a: {  	[timem:s5], [sflag:s20] =	dma.local [hbm:s3], s18  }
0x9b: {  	_ =	swait.ge [sflag:s20], s18  }
0x9c: {  	s2 =	ssub.s32 $0x0, s18;
	[sflag:s20] =	ssyncset.done $0x0  }
0x9d: {  	[sflag:s20] =	ssyncadd.s32 s2;
	_ =	sdelay $0x1  }
0x9e: {  	s21 =	simm.s32 $0x1B8B  }
0x9f: {  	_ =	swait.ge [sflag:s21], $0x1  }
0xa0: {  	[sflag:s21] =	ssyncset.done $0x0  }
0xa1: {  	s23 =	simm.s32 $0x1B8E;
	s22 =	sld [smem:$0x3FFE];
	[sflag:s21] =	ssyncadd.s32 $0xFFFFFFFF  }
0xa2: {  	s24 =	simm.s32 $execute0_lowered;
	[smem:$0x3FD2] =	sst s23  }
0xa3: {  	s3 =	sshll.u32 s24, $0x1;
	_ =	strace $0x80000046;
	[dreg:$0x1] =	wrdreg $0xFFFFFFFF  }
0xa4: {  	s25 =	simm.s32 $_size_execute0_lowered;
	s1 =	sadd.s32 s1, s3;
	[dreg:$0x0] =	wrdreg $0x0  }
0xa5: {  	s3 =	sshll.u32 s25, $0x1;
	[dreg:$0x2] =	wrdreg s1  }
0xa6: {  	[dreg:$0x3] =	wrdreg s3  }
0xa7: {  	[dreg:$0x4] =	wrdreg $0xC0  }
0xa8: {  	_ =	task [dreg:s5], $0x5FFFF  }
0xa9: {  	[dreg:$0x1] =	wrdreg $0xFFFFFFFF  }
0xaa: {  	[dreg:$0x0] =	wrdreg $0x60  }
0xab: {  	[dreg:$0x2] =	wrdreg s0  }
0xac: {  	[dreg:$0x3] =	wrdreg s22  }
0xad: {  	[dreg:$0x4] =	wrdreg $0x9  }
0xae: {  	_ =	task.clear_ibuf [dreg:s5], $0x5FFFF;
	_ =	strace $0x90000046  }
0xaf: {  	s26 =	simm.s32 $0x9;
	_ =	strace $0x80000048  }
0xb0: {  	_ =	swait.ge [sflag:s26], $0x1  }
0xb1: {  	[sflag:s26] =	ssyncadd.s32 $0xFFFFFFFF  }
0xb2: {  	_ =	strace $0x90000048  }
0xb3: {  	_ =	sfence  }
0xb4: {  	s28 =	sld [smem:$0x0];
	_ =	sdelay $0x1  }
0xb5: {  	s29 =	srdreg.scid  }
0xb6: {  	s30 =	sshll.u32 s29, $0xD;
	s31 =	sshrl.u32 s29, $0x2  }
0xb7: {  	s2 =	sand.u32 $0x4000, s30;
	s1 =	sand.u32 $0x1, s29;
	s0 =	sadd.s32 s31, s28  }
0xb8: {  	s1 =	sor.u32 s2, s1;
	s0 =	sshll.u32 s0, $0x11  }
0xb9: {  	s0 =	sor.u32 s0, s1  }
0xba: {  	s0 =	sadd.s32 $0x8F2B, s0  }
0xbb: {  	[sflag:s0] =	ssyncadd.remote.s32 $0x1  }
0xbc: {  	_ =	sfence.sel $0xFFFF  }
0xbd: {  	[dreg:$0x0] =	wrdreg $0xFFFFFFFF;
	(pc) =	sbr.abs _section_cstart, $3  }
0xbe: {  	[dreg:$0x1] =	wrdreg $0xFFFFFFFF  }
0xbf: {  	_ =	task.clear_ibuf [dreg:s5], $0x2FFFF;
	_ =	strace $0x9FFFFFFF  }
0xc0: {  	(tm) =	ssettm $0x7FFFFFFF  }
0xc1: {  	_ =	shalt  }
tec
execute0_lowered:
.L_overlay_start_1:
0x0: {  	(tag) =	ssettag $0x1  }
0x1: {  	s3 =	rddreg [dreg:$0x0]  }
0x2: {  	s4 =	rddreg [dreg:$0x1];
	s1 =	stileid.u32  }
0x3: {  	s0 =	rddreg [dreg:$0x2];
	s2 =	sshll.u32 s1, $0x5  }
0x4: {  	s5 =	simm.s32 $0x0;
	s30 =	simm.s32 $0x80;
	s2 =	sand.u32 $0x180, s2  }
0x5: {  	s7 =	simm.s32 $0x200;
	[smem:$0x7FF] =	sst s5;
	s6 =	sshrl.u32 s2, $0x3  }
0x6: {  	s31 =	simm.s32 $0x1;
	_ =	strace $0x80000047;
	s3 =	sadd.s32 s3, s6  }
0x7: {  	[tilespmem:s5], [sflag:$0x1] =	stream.strided.gather [hbm4b:s3+s30], $0x1000, s7, s30, $0x38;
	[tilespmem:$0x1800] =	vst v63  }
0x8: {  	_ =	swait.ge [sflag:s31], $0x1000  }
0x9: {  	s3 =	sadd.s32 $0x400, s4;
	[sflag:s31] =	ssyncset.done $0x0  }
0xa: {  	v0 =	vimm.s32 $0x0;
	s4 =	simm.s32 $0x40;
	s5 =	simm.s32 $0x0;
	[sflag:s31] =	ssyncadd.s32 $0xFFFFF000  }
.LBB2_1:
0xb: {  	p0 =	sne.s32 s4, $0xFC0;
	[tilespmem:s5+$0x1400] =	vst v0;
	s5 =	smov.u32 s4;
	s4 =	sadd.s32 $0x40, s4  }
.Ltmp0:
0xc: {  	(pc) =	sbr.rel @p0 .LBB2_1-.Ltmp0, $2  }
0xd: {  	_ =	sdelay $0x2  }
0xe: {  	s5 =	sshra.s32 s5, $0x2  }
0xf: {  	s4 =	sand.u32 $0x3, s1  }
0x10: {  	p0 =	seq.s32 s4, $0x0  }
.Ltmp1:
0x11: {  	_ = 	snop;
	(pc) =	sbr.rel @p0 .LBB2_5-.Ltmp1, $4  }
0x12: {  	_ = 	snop  }
0x13: {  	s6 =	sshll.u32 s4, $0xC  }
0x14: {  	s2 =	sor.u32 s6, s2  }
0x15: {  	[tilespmem:s5+$0x1400] =	vst v0;
	s6 =	sshrl.u32 s2, $0x3  }
0x16: {  	s2 =	sshll.u32 s4, $0x3;
	s4 =	simm.s32 $0x40;
	v0 =	vimm.s32 $0x1;
	s5 =	simm.s32 $0x1400  }
.LBB2_4:
0x17: {  	v1 =	vld [tilespmem:s4+$0xFFFFFFC0];
	_ =	sdelay $0x7  }
0x18: {  	[tilespmem:v1+s5+$0x0] =	vst.idx.add.s32.msk $0xffff, v0  }
0x19: {  	v1 =	vld [tilespmem:s4+$0xFFFFFFD0];
	_ =	sdelay $0x7  }
0x1a: {  	[tilespmem:v1+s5+$0x0] =	vst.idx.add.s32.msk $0xffff, v0  }
0x1b: {  	v1 =	vld [tilespmem:s4+$0xFFFFFFE0];
	_ =	sdelay $0x7  }
0x1c: {  	[tilespmem:v1+s5+$0x0] =	vst.idx.add.s32.msk $0xffff, v0  }
0x1d: {  	v1 =	vld [tilespmem:s4+$0xFFFFFFF0];
	_ =	sdelay $0x7  }
0x1e: {  	[tilespmem:v1+s5+$0x0] =	vst.idx.add.s32.msk $0xffff, v0  }
0x1f: {  	v1 =	vld [tilespmem:s4+$0x0];
	_ =	sdelay $0x7  }
0x20: {  	[tilespmem:v1+s5+$0x0] =	vst.idx.add.s32.msk $0xffff, v0  }
0x21: {  	v1 =	vld [tilespmem:s4+$0x10];
	_ =	sdelay $0x7  }
0x22: {  	[tilespmem:v1+s5+$0x0] =	vst.idx.add.s32.msk $0xffff, v0  }
0x23: {  	v1 =	vld [tilespmem:s4+$0x20];
	_ =	sdelay $0x7  }
0x24: {  	[tilespmem:v1+s5+$0x0] =	vst.idx.add.s32.msk $0xffff, v0  }
0x25: {  	v1 =	vld [tilespmem:s4+$0x30];
	_ =	sdelay $0x2  }
0x26: {  	p0 =	sne.s32 s2, $0x1  }
.Ltmp2:
0x27: {  	_ = 	snop;
	(pc) =	sbr.rel @p0 .LBB2_4-.Ltmp2, $2  }
0x28: {  	_ =	sdelay $0x2  }
0x29: {  	s2 =	sadd.s32 $0xFFFFFFFF, s2;
	s4 =	sadd.s32 $0x80, s4;
	[tilespmem:v1+s5+$0x0] =	vst.idx.add.s32.msk $0xffff, v0  }
.LBB2_5:
0x2a: {  	s4 =	sshll.u32 s1, $0xA  }
0x2b: {  	s2 =	simm.s32 $0x0;
	s5 =	sadd.s32 $0x0, s4  }
0x2c: {  	s2 =	sand.u32 $0x40, s2;
	s5 =	sand.u32 $0xF80, s5  }
0x2d: {  	s7 =	sor.u32 s2, s5  }
0x2e: {  	v1 =	vld [tilespmem:s7+$0x0];
	_ =	sdelay $0x4  }
0x2f: {  	(xrf1) =	vunique.msk.u32 $0xffff, v1;
	_ =	sdelay $0x8  }
0x30: {  	s2 =	simm.s32 $0x1400  }
0x31: {  	v0 =	vld.idx.msk [tilespmem:v1+s2+$0x0], $0xffff;
	_ =	sdelay $0x3  }
0x32: {  	_, v2, _ =	vpop (xrf1)  }
0x33: {  	v0 =	vadd.s32 v0, v2  }
0x34: {  	v2 =	vcvt.s32.f32 v0  }
0x35: {  	s5 =	simm.s32 $0x1020  }
0x36: {  	v0 =	vimm.s32 $0x1;
	[tilespmem:s5+$0xFFFFFFE0] =	vst v2  }
0x37: {  	[tilespmem:v1+s2+$0x0] =	vst.idx.add.s32.msk $0xffff, v0  }
0x38: {  	v1 =	vld [tilespmem:s7+$0x10];
	_ =	sdelay $0x4  }
0x39: {  	(xrf1) =	vunique.msk.u32 $0xffff, v1;
	_ =	sdelay $0x9  }
0x3a: {  	v2 =	vld.idx.msk [tilespmem:v1+s2+$0x0], $0xffff;
	_ =	sdelay $0x3  }
0x3b: {  	_, v3, _ =	vpop (xrf1)  }
0x3c: {  	v2 =	vadd.s32 v2, v3  }
0x3d: {  	v2 =	vcvt.s32.f32 v2;
	_ =	sdelay $0x1  }
0x3e: {  	[tilespmem:s5+$0xFFFFFFF0] =	vst v2  }
0x3f: {  	[tilespmem:v1+s2+$0x0] =	vst.idx.add.s32.msk $0xffff, v0  }
0x40: {  	v1 =	vld [tilespmem:s7+$0x20];
	_ =	sdelay $0x4  }
0x41: {  	(xrf1) =	vunique.msk.u32 $0xffff, v1;
	_ =	sdelay $0x9  }
0x42: {  	v2 =	vld.idx.msk [tilespmem:v1+s2+$0x0], $0xffff;
	_ =	sdelay $0x3  }
0x43: {  	_, v3, _ =	vpop (xrf1)  }
0x44: {  	v2 =	vadd.s32 v2, v3  }
0x45: {  	v2 =	vcvt.s32.f32 v2;
	_ =	sdelay $0x1  }
0x46: {  	[tilespmem:s5+$0x0] =	vst v2  }
0x47: {  	[tilespmem:v1+s2+$0x0] =	vst.idx.add.s32.msk $0xffff, v0  }
0x48: {  	v1 =	vld [tilespmem:s7+$0x30];
	_ =	sdelay $0x4  }
0x49: {  	(xrf1) =	vunique.msk.u32 $0xffff, v1;
	_ =	sdelay $0x9  }
0x4a: {  	v2 =	vld.idx.msk [tilespmem:v1+s2+$0x0], $0xffff;
	_ =	sdelay $0x3  }
0x4b: {  	_, v3, _ =	vpop (xrf1)  }
0x4c: {  	v2 =	vadd.s32 v2, v3  }
0x4d: {  	v2 =	vcvt.s32.f32 v2  }
0x4e: {  	s3 =	sadd.s32 s3, s6;
	s30 =	simm.s32 $0x40;
	s31 =	sadd.s32 $0x40, s4  }
0x4f: {  	s9 =	simm.s32 $0x80;
	s8 =	sand.u32 $0xF80, s31;
	s7 =	sand.u32 $0x40, s30;
	[tilespmem:s5+$0x10] =	vst v2  }
.LBB2_6:
0x50: {  	s8 =	sor.u32 s7, s8  }
0x51: {  	[tilespmem:v1+s2+$0x0] =	vst.idx.add.s32.msk $0xffff, v0;
	s5 =	sadd.s32 $0x40, s5;
	s7 =	smov.u32 s9;
	s6 =	sadd.s32 $0x40, s9  }
0x52: {  	p0 =	sne.s32 s9, $0x3C0;
	v1 =	vld [tilespmem:s8+$0x0];
	_ =	sdelay $0x4  }
0x53: {  	(xrf1) =	vunique.msk.u32 $0xffff, v1;
	_ =	sdelay $0x8  }
0x54: {  	v2 =	vld.idx.msk [tilespmem:v1+s2+$0x0], $0xffff;
	_ =	sdelay $0x4  }
0x55: {  	_, v3, _ =	vpop (xrf1)  }
0x56: {  	v2 =	vadd.s32 v2, v3  }
0x57: {  	v2 =	vcvt.s32.f32 v2;
	_ =	sdelay $0x1  }
0x58: {  	[tilespmem:s5+$0xFFFFFFE0] =	vst v2  }
0x59: {  	[tilespmem:v1+s2+$0x0] =	vst.idx.add.s32.msk $0xffff, v0  }
0x5a: {  	v1 =	vld [tilespmem:s8+$0x10];
	_ =	sdelay $0x4  }
0x5b: {  	(xrf1) =	vunique.msk.u32 $0xffff, v1;
	_ =	sdelay $0x8  }
0x5c: {  	v2 =	vld.idx.msk [tilespmem:v1+s2+$0x0], $0xffff;
	_ =	sdelay $0x4  }
0x5d: {  	_, v3, _ =	vpop (xrf1)  }
0x5e: {  	v2 =	vadd.s32 v2, v3  }
0x5f: {  	v2 =	vcvt.s32.f32 v2;
	_ =	sdelay $0x1  }
0x60: {  	[tilespmem:s5+$0xFFFFFFF0] =	vst v2  }
0x61: {  	[tilespmem:v1+s2+$0x0] =	vst.idx.add.s32.msk $0xffff, v0  }
0x62: {  	v1 =	vld [tilespmem:s8+$0x20];
	_ =	sdelay $0x4  }
0x63: {  	(xrf1) =	vunique.msk.u32 $0xffff, v1;
	_ =	sdelay $0x8  }
0x64: {  	v2 =	vld.idx.msk [tilespmem:v1+s2+$0x0], $0xffff;
	_ =	sdelay $0x4  }
0x65: {  	_, v3, _ =	vpop (xrf1)  }
0x66: {  	v2 =	vadd.s32 v2, v3  }
0x67: {  	v2 =	vcvt.s32.f32 v2;
	_ =	sdelay $0x1  }
0x68: {  	[tilespmem:s5+$0x0] =	vst v2  }
0x69: {  	[tilespmem:v1+s2+$0x0] =	vst.idx.add.s32.msk $0xffff, v0  }
0x6a: {  	v1 =	vld [tilespmem:s8+$0x30];
	_ =	sdelay $0x4  }
0x6b: {  	(xrf1) =	vunique.msk.u32 $0xffff, v1;
	_ =	sdelay $0x2  }
0x6c: {  	v2 =	vld.idx.msk [tilespmem:v1+s2+$0x0], $0xffff;
	_ =	sdelay $0xa  }
.Ltmp3:
0x6d: {  	_, v3, _ =	vpop (xrf1);
	(pc) =	sbr.rel @p0 .LBB2_6-.Ltmp3, $4  }
0x6e: {  	v2 =	vadd.s32 v2, v3  }
0x6f: {  	v2 =	vcvt.s32.f32 v2  }
0x70: {  	s8 =	sadd.s32 s7, s4  }
0x71: {  	s9 =	smov.u32 s6;
	s7 =	sand.u32 $0x40, s7;
	s8 =	sand.u32 $0xF80, s8;
	[tilespmem:s5+$0x10] =	vst v2  }
0x72: {  	_ =	sdelay $0x3  }
0x73: {  	s4 =	sor.u32 s7, s8;
	[tilespmem:v1+s2+$0x0] =	vst.idx.add.s32.msk $0xffff, v0  }
0x74: {  	v1 =	vld [tilespmem:s4+$0x0];
	_ =	sdelay $0x4  }
0x75: {  	(xrf1) =	vunique.msk.u32 $0xffff, v1;
	_ =	sdelay $0x9  }
0x76: {  	v2 =	vld.idx.msk [tilespmem:v1+s2+$0x0], $0xffff;
	_ =	sdelay $0x3  }
0x77: {  	_, v3, _ =	vpop (xrf1)  }
0x78: {  	v2 =	vadd.s32 v2, v3  }
0x79: {  	v2 =	vcvt.s32.f32 v2  }
0x7a: {  	s5 =	sadd.s32 $0x40, s5  }
0x7b: {  	[tilespmem:s5+$0xFFFFFFE0] =	vst v2  }
0x7c: {  	[tilespmem:v1+s2+$0x0] =	vst.idx.add.s32.msk $0xffff, v0  }
0x7d: {  	v1 =	vld [tilespmem:s4+$0x10];
	_ =	sdelay $0x4  }
0x7e: {  	(xrf1) =	vunique.msk.u32 $0xffff, v1;
	_ =	sdelay $0x9  }
0x7f: {  	v2 =	vld.idx.msk [tilespmem:v1+s2+$0x0], $0xffff;
	_ =	sdelay $0x3  }
0x80: {  	_, v61, _ =	vpop (xrf1)  }
0x81: {  	v2 =	vadd.s32 v2, v61  }
0x82: {  	v2 =	vcvt.s32.f32 v2;
	_ =	sdelay $0x1  }
0x83: {  	[tilespmem:s5+$0xFFFFFFF0] =	vst v2  }
0x84: {  	[tilespmem:v1+s2+$0x0] =	vst.idx.add.s32.msk $0xffff, v0  }
0x85: {  	v1 =	vld [tilespmem:s4+$0x20];
	_ =	sdelay $0x4  }
0x86: {  	(xrf1) =	vunique.msk.u32 $0xffff, v1;
	_ =	sdelay $0x9  }
0x87: {  	v2 =	vld.idx.msk [tilespmem:v1+s2+$0x0], $0xffff;
	_ =	sdelay $0x3  }
0x88: {  	_, v62, _ =	vpop (xrf1)  }
0x89: {  	v2 =	vadd.s32 v2, v62  }
0x8a: {  	v2 =	vcvt.s32.f32 v2;
	_ =	sdelay $0x1  }
0x8b: {  	[tilespmem:s5+$0x0] =	vst v2  }
0x8c: {  	[tilespmem:v1+s2+$0x0] =	vst.idx.add.s32.msk $0xffff, v0  }
0x8d: {  	v1 =	vld [tilespmem:s4+$0x30];
	_ =	sdelay $0x4  }
0x8e: {  	(xrf1) =	vunique.msk.u32 $0xffff, v1;
	_ =	sdelay $0x9  }
0x8f: {  	v2 =	vld.idx.msk [tilespmem:v1+s2+$0x0], $0xffff;
	_ =	sdelay $0x3  }
0x90: {  	_, v63, _ =	vpop (xrf1)  }
0x91: {  	v2 =	vadd.s32 v2, v63  }
0x92: {  	v2 =	vcvt.s32.f32 v2;
	_ =	sdelay $0x1  }
0x93: {  	s28 =	simm.s32 $0x80;
	[tilespmem:s5+$0x10] =	vst v2  }
0x94: {  	s29 =	simm.s32 $0x200;
	s30 =	simm.s32 $0x1000;
	s31 =	simm.s32 $0x1;
	[tilespmem:v1+s2+$0x0] =	vst.idx.add.s32.msk $0xffff, v0  }
0x95: {  	[hbm4b:s3+s28] =	stream.strided.scatter [tilespmem:s30], [sflag:$0x1], $0x400, s29, s28, $0x38;
	[tilespmem:$0x1800] =	vst v63  }
0x96: {  	_ =	swait.ge [sflag:s31], $0x400  }
0x97: {  	[sflag:s31] =	ssyncset.done $0x0  }
0x98: {  	[sflag:s31] =	ssyncadd.s32 $0xFFFFFC00  }
0x99: {  	_ =	sfence.sel $0x180000  }
0x9a: {  	[bflag:$0x0] =	sbarrier.arrive $0xFFFF  }
0x9b: {  	p0 =	sne.s32 s1, $0x0;
	_ =	strace $0x90000047  }
0x9c: {  	s0 =	sadd.s32 @!p0 $0x100000, s0;
	[bflag:$0x2] =	sbarrier.arrive $0xFFFF  }
0x9d: {  	[sflag:s0] =	ssyncadd.tile.s32 @!p0 $0x1;
	_ =	shalt  }
.Lfunc_end2:
_tile_overlayer_lowered:
.L_overlay_start_2:
0x9e: {  	(tag) =	ssettag $0x2  }
0x9f: {  	s0 =	rddreg [dreg:$0x0];
	s2 =	stileid.u32  }
0xa0: {  	s1 =	rddreg [dreg:$0x1];
	p0 =	sne.s32 s2, $0x0  }
0xa1: {  	s3 =	rddreg [dreg:$0x2];
	[bflag:$0x3] =	sbarrier.arrive $0xFFFF;
	s2 =	simm.s32 @!p0 $0x1C01  }
0xa2: {  	[timem:s3], [sflag:s2] =	dma.local @!p0 [hbm:s0], s1  }
0xa3: {  	s0 =	simm.s32 @!p0 $0x1  }
0xa4: {  	_ =	swait.ge @!p0 [sflag:s0], s1  }
0xa5: {  	s1 =	ssub.s32 @!p0 $0x0, s1;
	[sflag:s0] =	ssyncset.done @!p0 $0x0  }
0xa6: {  	[sflag:s0] =	ssyncadd.s32 @!p0 s1  }
0xa7: {  	[bflag:$0x3] =	sbarrier.arrive $0xFFFF  }
0xa8: {  	_ =	shalt  }

</sc_bundles>
